<compile_context>
chip_gen: v7x
topology: tpu7x:2x2x1
jax: 0.10.2.dev20260603
libtpu: 0.0.44.dev20260713+nightly
codegen_flags: <defaults>
</compile_context>

<pallas_src>
import functools

import jax
import jax.numpy as jnp
from jax import lax
from jax.experimental import pallas as pl
from jax.experimental.pallas import tpu as pltpu
from jax.experimental.pallas import tpu_sc as plsc

LANES = 16


def _make_pool_kernel(B, S, D, NC, NS):
    NW = NC * NS
    bw = B // NW
    CB = 2
    CR = CB * S
    NCH = bw // CB
    assert B % NW == 0 and bw % CB == 0 and CR <= 128 and D % LANES == 0
    assert NCH % 2 == 0
    RV = D // LANES

    mesh = plsc.VectorSubcoreMesh(core_axis_name="c", subcore_axis_name="s")

    @functools.partial(
        pl.kernel,
        mesh=mesh,
        compiler_params=pltpu.CompilerParams(use_tc_tiling_on_sc=False),
        out_type=jax.ShapeDtypeStruct((B, D), jnp.float32),
        scratch_types=[
            pltpu.VMEM((NCH, CR), jnp.int32),
            pltpu.VMEM((CR, D), jnp.float32),
            pltpu.VMEM((CR, D), jnp.float32),
            pltpu.VMEM((bw, D), jnp.float32),
            pltpu.SemaphoreType.DMA,
            pltpu.SemaphoreType.DMA,
        ],
    )
    def pool(ids_hbm, table_hbm, out_hbm, idx_v, rows0, rows1, pooled_v, sem0, sem1):
        wid = lax.axis_index("s") * NC + lax.axis_index("c")
        pltpu.sync_copy(ids_hbm.at[wid], idx_v)
        scale = jnp.float32(1.0 / S)

        def gather_start(c, buf, sem):
            pltpu.make_async_copy(table_hbm.at[idx_v.at[c]], buf, sem).start()

        def gather_wait(buf, sem):
            pltpu.make_async_copy(table_hbm.at[idx_v.at[0]], buf, sem).wait()

        def accum(c, buf):
            for bloc in range(CB):
                def seq_body(s, acc, _bloc=bloc):
                    row = _bloc * S + s
                    return tuple(acc[r] + buf[row, pl.ds(LANES * r, LANES)]
                                 for r in range(RV))
                acc = lax.fori_loop(
                    0, S, seq_body,
                    tuple(jnp.zeros((LANES,), jnp.float32) for _ in range(RV)))
                out_row = c * CB + bloc
                for r in range(RV):
                    pooled_v[out_row, pl.ds(LANES * r, LANES)] = acc[r] * scale

        gather_start(0, rows0, sem0)

        def chunk_pair(i, carry):
            c = 2 * i
            gather_start(c + 1, rows1, sem1)
            gather_wait(rows0, sem0)
            accum(c, rows0)

            @pl.when(c + 2 < NCH)
            def _():
                gather_start(c + 2, rows0, sem0)

            gather_wait(rows1, sem1)
            accum(c + 1, rows1)
            return carry

        lax.fori_loop(0, NCH // 2, chunk_pair, 0)
        pltpu.sync_copy(pooled_v, out_hbm.at[pl.ds(wid * bw, bw)])

    return pool


def _classifier(pooled, W, b):
    B, D = pooled.shape
    C = W.shape[1]
    BLK = 512

    def mm_body(p_ref, w_ref, b_ref, o_ref):
        o_ref[...] = (
            jnp.dot(p_ref[...], w_ref[...], preferred_element_type=jnp.float32)
            + b_ref[...]
        )

    return pl.pallas_call(
        mm_body,
        grid=(B // BLK,),
        in_specs=[
            pl.BlockSpec((BLK, D), lambda i: (i, 0)),
            pl.BlockSpec((D, C), lambda i: (0, 0)),
            pl.BlockSpec((1, C), lambda i: (0, 0)),
        ],
        out_specs=pl.BlockSpec((BLK, C), lambda i: (i, 0)),
        out_shape=jax.ShapeDtypeStruct((B, C), jnp.float32),
    )(pooled, W, b.reshape(1, C))


def kernel(input_ids, table, W, b):
    B, S = input_ids.shape
    V, D = table.shape
    info = plsc.get_sparse_core_info()
    NC, NS = info.num_cores, info.num_subcores
    NW = NC * NS
    CB = 2
    ids = input_ids.astype(jnp.int32).reshape(NW, (B // NW) // CB, CB * S)
    pooled = _make_pool_kernel(B, S, D, NC, NS)(ids, table)
    return _classifier(pooled, W, b)

# --- scband reference (transcript-rebuilt; emitter-appended) ---
"""Pipeline reference for scband-embedding-classifier-68427418960497 (READ-ONLY COPY).

The authoritative reference and input builder live on the scoring server;
editing this copy changes nothing except your own understanding.
"""

import jax, jax.numpy as jnp
import numpy as np

VOCAB = 1000000
EMBED_DIM = 64
BATCH = 4096
SEQ = 50
NUM_CLASSES = 128

def setup_inputs(seed: int = 0) -> dict:
    key = jax.random.key(seed)
    k1, k2, k3 = jax.random.split(key, 3)
    input_ids = jax.random.randint(k1, (BATCH, SEQ), 0, VOCAB, dtype=jnp.int64 if jax.config.jax_enable_x64 else jnp.int32)
    table = jax.random.normal(k2, (VOCAB, EMBED_DIM), dtype=jnp.float32) * 0.02
    W = jax.random.normal(k3, (EMBED_DIM, NUM_CLASSES), dtype=jnp.float32) * (1.0 / np.sqrt(EMBED_DIM))
    b = jnp.zeros((NUM_CLASSES,), dtype=jnp.float32)
    return {"input_ids": input_ids, "table": table, "W": W, "b": b}

def reference(input_ids, table, W, b):
    # embedding lookup: gather rows of the table -> [B, S, D]
    emb = jnp.take(table, input_ids, axis=0)
    # classifier head (mean-pool + linear), standing in for the wrapped classifier module
    pooled = jnp.mean(emb, axis=1)
    logits = pooled @ W + b
    return logits

if __name__ == "__main__":
    import jax
    _d = setup_inputs()
    print(jax.jit(kernel)(*tuple(_d.values())))

</pallas_src>

<mosaic_0001>
#map = affine_map<(d0, d1) -> (0, 0, 0)>
#map1 = affine_map<(d0, d1) -> (0, 0)>
module attributes {stable_mosaic.version = 14 : i64} {
  func.func @pool(%arg0: i32, %arg1: i32, %arg2: memref<32x64x100xi32, #tpu.memory_space<hbm>>, %arg3: memref<1000000x64xf32, #tpu.memory_space<hbm>>, %arg4: memref<4096x64xf32, #tpu.memory_space<hbm>>, %arg5: memref<64x100xi32, #tpu.memory_space<vmem>>, %arg6: memref<100x64xf32, #tpu.memory_space<vmem>>, %arg7: memref<100x64xf32, #tpu.memory_space<vmem>>, %arg8: memref<128x64xf32, #tpu.memory_space<vmem>>, %arg9: memref<!tpu.dma_semaphore, #tpu.memory_space<semaphore_mem>>, %arg10: memref<!tpu.dma_semaphore, #tpu.memory_space<semaphore_mem>>) attributes {dimension_semantics = [#tpu.dimension_semantics<core_parallel>, #tpu.dimension_semantics<subcore_parallel>], iteration_bounds = array<i64: 2, 16>, scalar_prefetch = 0 : i64, scratch_operands = 6 : i64, tpu.core_type = #tpu.core_type<sc_vector_subcore>, window_params = [{transform_indices = #map}, {transform_indices = #map1}, {transform_indices = #map1}]} {
    %mul3A = arith.constant 2 : i32
    %mul3A_0 = arith.muli %arg1, %mul3A : i32
    %add3A = arith.addi %mul3A_0, %arg0 : i32
    "tpu.region"() ({
      %run_scoped3A = tpu.sem_alloc : memref<!tpu.dma_semaphore, #tpu.memory_space<semaphore_mem>>
      %dma_start3A_15 = arith.constant 0 : i32
      %dma_start3A_16 = arith.constant 0 : i32
      %dma_start3A_17 = tpu.memref_slice %arg2[%add3A, %dma_start3A_15, %dma_start3A_16] : memref<32x64x100xi32, #tpu.memory_space<hbm>> -> memref<1x64x100xi32, #tpu.memory_space<hbm>>
      %dma_start3A_18 = tpu.memref_squeeze %dma_start3A_17 : memref<1x64x100xi32, #tpu.memory_space<hbm>> -> memref<64x100xi32, #tpu.memory_space<hbm>>
      %dma_start3A_19 = arith.constant 0 : i32
      %dma_start3A_20 = arith.constant 0 : i32
      %dma_start3A_21 = tpu.memref_slice %arg2[%add3A, %dma_start3A_19, %dma_start3A_20] : memref<32x64x100xi32, #tpu.memory_space<hbm>> -> memref<1x64x100xi32, #tpu.memory_space<hbm>>
      %dma_start3A_22 = tpu.memref_squeeze %dma_start3A_21 : memref<1x64x100xi32, #tpu.memory_space<hbm>> -> memref<64x100xi32, #tpu.memory_space<hbm>>
      tpu.enqueue_dma source(%dma_start3A_22 : memref<64x100xi32, #tpu.memory_space<hbm>>) target(%arg5 : memref<64x100xi32, #tpu.memory_space<vmem>>) target_semaphore(%run_scoped3A : memref<!tpu.dma_semaphore, #tpu.memory_space<semaphore_mem>>)
      %dma_wait3A = arith.constant 0 : i32
      %dma_wait3A_23 = arith.constant 0 : i32
      %dma_wait3A_24 = tpu.memref_slice %arg2[%add3A, %dma_wait3A, %dma_wait3A_23] : memref<32x64x100xi32, #tpu.memory_space<hbm>> -> memref<1x64x100xi32, #tpu.memory_space<hbm>>
      %dma_wait3A_25 = tpu.memref_squeeze %dma_wait3A_24 : memref<1x64x100xi32, #tpu.memory_space<hbm>> -> memref<64x100xi32, #tpu.memory_space<hbm>>
      %dma_wait3A_26 = arith.constant 0 : i32
      %dma_wait3A_27 = arith.constant 0 : i32
      %dma_wait3A_28 = tpu.memref_slice %arg2[%add3A, %dma_wait3A_26, %dma_wait3A_27] : memref<32x64x100xi32, #tpu.memory_space<hbm>> -> memref<1x64x100xi32, #tpu.memory_space<hbm>>
      %dma_wait3A_29 = tpu.memref_squeeze %dma_wait3A_28 : memref<1x64x100xi32, #tpu.memory_space<hbm>> -> memref<64x100xi32, #tpu.memory_space<hbm>>
      tpu.wait_dma2 semaphore(%run_scoped3A : memref<!tpu.dma_semaphore, #tpu.memory_space<semaphore_mem>>) src(%dma_wait3A_29 : memref<64x100xi32, #tpu.memory_space<hbm>>) dst(%arg5 : memref<64x100xi32, #tpu.memory_space<vmem>>)
      tpu.yield
    }) : () -> ()
    %dma_start3A = arith.constant 0 : i32
    %dma_start3A_1 = arith.constant 0 : i32
    %dma_start3A_2 = tpu.memref_slice %arg5[%dma_start3A, %dma_start3A_1] : memref<64x100xi32, #tpu.memory_space<vmem>> -> memref<1x100xi32, #tpu.memory_space<vmem>>
    %dma_start3A_3 = tpu.memref_squeeze %dma_start3A_2 : memref<1x100xi32, #tpu.memory_space<vmem>> -> memref<100xi32, #tpu.memory_space<vmem>>
    %dma_start3A_4 = arith.constant 0 : i32
    %dma_start3A_5 = arith.constant 0 : i32
    %dma_start3A_6 = tpu.memref_slice %arg3[%dma_start3A_4, %dma_start3A_5] : memref<1000000x64xf32, #tpu.memory_space<hbm>> -> memref<1000000x64xf32, #tpu.memory_space<hbm>>
    tpu.enqueue_indirect_dma source(%dma_start3A_6 : memref<1000000x64xf32, #tpu.memory_space<hbm>>) target(%arg6 : memref<100x64xf32, #tpu.memory_space<vmem>>) offsets(%dma_start3A_3 : memref<100xi32, #tpu.memory_space<vmem>>) semaphore(%arg9 : memref<!tpu.dma_semaphore, #tpu.memory_space<semaphore_mem>>)
    %scan3A = arith.constant 0 : i32
    %scan3A_7 = arith.constant 2.000000e-02 : f32
    %scan3A_8 = arith.constant 0 : i32
    %scan3A_9 = arith.constant 32 : i32
    %scan3A_10 = arith.addi %scan3A_8, %scan3A_9 : i32
    %scan3A_11 = arith.constant 1 : i32
    scf.for %scan3A_15 = %scan3A_8 to %scan3A_10 step %scan3A_11  : i32 {
      %mul3A_16 = arith.constant 2 : i32
      %mul3A_17 = arith.muli %mul3A_16, %scan3A_15 : i32
      %add3A_18 = arith.constant 1 : i32
      %add3A_19 = arith.addi %mul3A_17, %add3A_18 : i32
      %dma_start3A_20 = arith.constant 0 : i32
      %dma_start3A_21 = tpu.memref_slice %arg5[%add3A_19, %dma_start3A_20] : memref<64x100xi32, #tpu.memory_space<vmem>> -> memref<1x100xi32, #tpu.memory_space<vmem>>
      %dma_start3A_22 = tpu.memref_squeeze %dma_start3A_21 : memref<1x100xi32, #tpu.memory_space<vmem>> -> memref<100xi32, #tpu.memory_space<vmem>>
      %dma_start3A_23 = arith.constant 0 : i32
      %dma_start3A_24 = arith.constant 0 : i32
      %dma_start3A_25 = tpu.memref_slice %arg3[%dma_start3A_23, %dma_start3A_24] : memref<1000000x64xf32, #tpu.memory_space<hbm>> -> memref<1000000x64xf32, #tpu.memory_space<hbm>>
      tpu.enqueue_indirect_dma source(%dma_start3A_25 : memref<1000000x64xf32, #tpu.memory_space<hbm>>) target(%arg7 : memref<100x64xf32, #tpu.memory_space<vmem>>) offsets(%dma_start3A_22 : memref<100xi32, #tpu.memory_space<vmem>>) semaphore(%arg10 : memref<!tpu.dma_semaphore, #tpu.memory_space<semaphore_mem>>)
      %dma_wait3A = arith.constant 0 : i32
      %dma_wait3A_26 = arith.constant 0 : i32
      %dma_wait3A_27 = tpu.memref_slice %arg5[%dma_wait3A, %dma_wait3A_26] : memref<64x100xi32, #tpu.memory_space<vmem>> -> memref<1x100xi32, #tpu.memory_space<vmem>>
      %dma_wait3A_28 = tpu.memref_squeeze %dma_wait3A_27 : memref<1x100xi32, #tpu.memory_space<vmem>> -> memref<100xi32, #tpu.memory_space<vmem>>
      %dma_wait3A_29 = arith.constant 0 : i32
      %dma_wait3A_30 = arith.constant 0 : i32
      %dma_wait3A_31 = tpu.memref_slice %arg3[%dma_wait3A_29, %dma_wait3A_30] : memref<1000000x64xf32, #tpu.memory_space<hbm>> -> memref<1000000x64xf32, #tpu.memory_space<hbm>>
      tpu.wait_indirect_dma semaphore(%arg9 : memref<!tpu.dma_semaphore, #tpu.memory_space<semaphore_mem>>) src(%dma_wait3A_31 : memref<1000000x64xf32, #tpu.memory_space<hbm>>) dst(%arg6 : memref<100x64xf32, #tpu.memory_space<vmem>>)
      %broadcast_in_dim3A = arith.constant 0.000000e+00 : f32
      %broadcast_in_dim3A_32 = vector.broadcast %broadcast_in_dim3A : f32 to vector<16xf32>
      %broadcast_in_dim3A_33 = arith.constant 0.000000e+00 : f32
      %broadcast_in_dim3A_34 = vector.broadcast %broadcast_in_dim3A_33 : f32 to vector<16xf32>
      %broadcast_in_dim3A_35 = arith.constant 0.000000e+00 : f32
      %broadcast_in_dim3A_36 = vector.broadcast %broadcast_in_dim3A_35 : f32 to vector<16xf32>
      %broadcast_in_dim3A_37 = arith.constant 0.000000e+00 : f32
      %broadcast_in_dim3A_38 = vector.broadcast %broadcast_in_dim3A_37 : f32 to vector<16xf32>
      %scan3A_39 = arith.constant 0 : i32
      %scan3A_40 = arith.constant 50 : i32
      %scan3A_41 = arith.addi %scan3A_39, %scan3A_40 : i32
      %scan3A_42 = arith.constant 1 : i32
      %scan3A_43:4 = scf.for %scan3A_227 = %scan3A_39 to %scan3A_41 step %scan3A_42 iter_args(%scan3A_228 = %broadcast_in_dim3A_32, %scan3A_229 = %broadcast_in_dim3A_34, %scan3A_230 = %broadcast_in_dim3A_36, %scan3A_231 = %broadcast_in_dim3A_38) -> (vector<16xf32>, vector<16xf32>, vector<16xf32>, vector<16xf32>)  : i32 {
        %add3A_232 = arith.constant 0 : i32
        %add3A_233 = arith.addi %add3A_232, %scan3A_227 : i32
        %get3A = arith.index_cast %add3A_233 : i32 to index
        %get3A_234 = arith.constant 0 : index
        %get3A_235 = tpu.vector_load %arg6[%get3A, %get3A_234] {strides = array<i32>} : memref<100x64xf32, #tpu.memory_space<vmem>>, vector<1x16xf32>,
        %get3A_236 = vector.shape_cast %get3A_235 : vector<1x16xf32> to vector<16xf32>
        %add3A_237 = arith.addf %scan3A_228, %get3A_236 : vector<16xf32>
        %get3A_238 = arith.index_cast %add3A_233 : i32 to index
        %get3A_239 = arith.constant 16 : index
        %get3A_240 = tpu.vector_load %arg6[%get3A_238, %get3A_239] {strides = array<i32>} : memref<100x64xf32, #tpu.memory_space<vmem>>, vector<1x16xf32>,
        %get3A_241 = vector.shape_cast %get3A_240 : vector<1x16xf32> to vector<16xf32>
        %add3A_242 = arith.addf %scan3A_229, %get3A_241 : vector<16xf32>
        %get3A_243 = arith.index_cast %add3A_233 : i32 to index
        %get3A_244 = arith.constant 32 : index
        %get3A_245 = tpu.vector_load %arg6[%get3A_243, %get3A_244] {strides = array<i32>} : memref<100x64xf32, #tpu.memory_space<vmem>>, vector<1x16xf32>,
        %get3A_246 = vector.shape_cast %get3A_245 : vector<1x16xf32> to vector<16xf32>
        %add3A_247 = arith.addf %scan3A_230, %get3A_246 : vector<16xf32>
        %get3A_248 = arith.index_cast %add3A_233 : i32 to index
        %get3A_249 = arith.constant 48 : index
        %get3A_250 = tpu.vector_load %arg6[%get3A_248, %get3A_249] {strides = array<i32>} : memref<100x64xf32, #tpu.memory_space<vmem>>, vector<1x16xf32>,
        %get3A_251 = vector.shape_cast %get3A_250 : vector<1x16xf32> to vector<16xf32>
        %add3A_252 = arith.addf %scan3A_231, %get3A_251 : vector<16xf32>
        scf.yield %add3A_237, %add3A_242, %add3A_247, %add3A_252 : vector<16xf32>, vector<16xf32>, vector<16xf32>, vector<16xf32>
      }
      %scan3A_44 = arith.constant 50 : i32
      %mul3A_45 = arith.constant 2 : i32
      %mul3A_46 = arith.muli %mul3A_17, %mul3A_45 : i32
      %add3A_47 = arith.constant 0 : i32
      %add3A_48 = arith.addi %mul3A_46, %add3A_47 : i32
      %mul3A_49 = vector.broadcast %scan3A_7 : f32 to vector<16xf32>
      %mul3A_50 = arith.mulf %scan3A_43#0, %mul3A_49 : vector<16xf32>
      %swap3A = arith.index_cast %add3A_48 : i32 to index
      %swap3A_51 = arith.constant 0 : index
      %swap3A_52 = tpu.vector_load %arg8[%swap3A, %swap3A_51] {strides = array<i32>} : memref<128x64xf32, #tpu.memory_space<vmem>>, vector<1x16xf32>,
      %swap3A_53 = vector.shape_cast %swap3A_52 : vector<1x16xf32> to vector<16xf32>
      %swap3A_54 = vector.shape_cast %mul3A_50 : vector<16xf32> to vector<1x16xf32>
      tpu.vector_store %arg8[%swap3A, %swap3A_51], %swap3A_54 {strides = array<i32>} : memref<128x64xf32, #tpu.memory_space<vmem>>, vector<1x16xf32>,
      %mul3A_55 = vector.broadcast %scan3A_7 : f32 to vector<16xf32>
      %mul3A_56 = arith.mulf %scan3A_43#1, %mul3A_55 : vector<16xf32>
      %swap3A_57 = arith.index_cast %add3A_48 : i32 to index
      %swap3A_58 = arith.constant 16 : index
      %swap3A_59 = tpu.vector_load %arg8[%swap3A_57, %swap3A_58] {strides = array<i32>} : memref<128x64xf32, #tpu.memory_space<vmem>>, vector<1x16xf32>,
      %swap3A_60 = vector.shape_cast %swap3A_59 : vector<1x16xf32> to vector<16xf32>
      %swap3A_61 = vector.shape_cast %mul3A_56 : vector<16xf32> to vector<1x16xf32>
      tpu.vector_store %arg8[%swap3A_57, %swap3A_58], %swap3A_61 {strides = array<i32>} : memref<128x64xf32, #tpu.memory_space<vmem>>, vector<1x16xf32>,
      %mul3A_62 = vector.broadcast %scan3A_7 : f32 to vector<16xf32>
      %mul3A_63 = arith.mulf %scan3A_43#2, %mul3A_62 : vector<16xf32>
      %swap3A_64 = arith.index_cast %add3A_48 : i32 to index
      %swap3A_65 = arith.constant 32 : index
      %swap3A_66 = tpu.vector_load %arg8[%swap3A_64, %swap3A_65] {strides = array<i32>} : memref<128x64xf32, #tpu.memory_space<vmem>>, vector<1x16xf32>,
      %swap3A_67 = vector.shape_cast %swap3A_66 : vector<1x16xf32> to vector<16xf32>
      %swap3A_68 = vector.shape_cast %mul3A_63 : vector<16xf32> to vector<1x16xf32>
      tpu.vector_store %arg8[%swap3A_64, %swap3A_65], %swap3A_68 {strides = array<i32>} : memref<128x64xf32, #tpu.memory_space<vmem>>, vector<1x16xf32>,
      %mul3A_69 = vector.broadcast %scan3A_7 : f32 to vector<16xf32>
      %mul3A_70 = arith.mulf %scan3A_43#3, %mul3A_69 : vector<16xf32>
      %swap3A_71 = arith.index_cast %add3A_48 : i32 to index
      %swap3A_72 = arith.constant 48 : index
      %swap3A_73 = tpu.vector_load %arg8[%swap3A_71, %swap3A_72] {strides = array<i32>} : memref<128x64xf32, #tpu.memory_space<vmem>>, vector<1x16xf32>,
      %swap3A_74 = vector.shape_cast %swap3A_73 : vector<1x16xf32> to vector<16xf32>
      %swap3A_75 = vector.shape_cast %mul3A_70 : vector<16xf32> to vector<1x16xf32>
      tpu.vector_store %arg8[%swap3A_71, %swap3A_72], %swap3A_75 {strides = array<i32>} : memref<128x64xf32, #tpu.memory_space<vmem>>, vector<1x16xf32>,
      %broadcast_in_dim3A_76 = arith.constant 0.000000e+00 : f32
      %broadcast_in_dim3A_77 = vector.broadcast %broadcast_in_dim3A_76 : f32 to vector<16xf32>
      %broadcast_in_dim3A_78 = arith.constant 0.000000e+00 : f32
      %broadcast_in_dim3A_79 = vector.broadcast %broadcast_in_dim3A_78 : f32 to vector<16xf32>
      %broadcast_in_dim3A_80 = arith.constant 0.000000e+00 : f32
      %broadcast_in_dim3A_81 = vector.broadcast %broadcast_in_dim3A_80 : f32 to vector<16xf32>
      %broadcast_in_dim3A_82 = arith.constant 0.000000e+00 : f32
      %broadcast_in_dim3A_83 = vector.broadcast %broadcast_in_dim3A_82 : f32 to vector<16xf32>
      %scan3A_84 = arith.constant 0 : i32
      %scan3A_85 = arith.constant 50 : i32
      %scan3A_86 = arith.addi %scan3A_84, %scan3A_85 : i32
      %scan3A_87 = arith.constant 1 : i32
      %scan3A_88:4 = scf.for %scan3A_227 = %scan3A_84 to %scan3A_86 step %scan3A_87 iter_args(%scan3A_228 = %broadcast_in_dim3A_77, %scan3A_229 = %broadcast_in_dim3A_79, %scan3A_230 = %broadcast_in_dim3A_81, %scan3A_231 = %broadcast_in_dim3A_83) -> (vector<16xf32>, vector<16xf32>, vector<16xf32>, vector<16xf32>)  : i32 {
        %add3A_232 = arith.constant 50 : i32
        %add3A_233 = arith.addi %add3A_232, %scan3A_227 : i32
        %get3A = arith.index_cast %add3A_233 : i32 to index
        %get3A_234 = arith.constant 0 : index
        %get3A_235 = tpu.vector_load %arg6[%get3A, %get3A_234] {strides = array<i32>} : memref<100x64xf32, #tpu.memory_space<vmem>>, vector<1x16xf32>,
        %get3A_236 = vector.shape_cast %get3A_235 : vector<1x16xf32> to vector<16xf32>
        %add3A_237 = arith.addf %scan3A_228, %get3A_236 : vector<16xf32>
        %get3A_238 = arith.index_cast %add3A_233 : i32 to index
        %get3A_239 = arith.constant 16 : index
        %get3A_240 = tpu.vector_load %arg6[%get3A_238, %get3A_239] {strides = array<i32>} : memref<100x64xf32, #tpu.memory_space<vmem>>, vector<1x16xf32>,
        %get3A_241 = vector.shape_cast %get3A_240 : vector<1x16xf32> to vector<16xf32>
        %add3A_242 = arith.addf %scan3A_229, %get3A_241 : vector<16xf32>
        %get3A_243 = arith.index_cast %add3A_233 : i32 to index
        %get3A_244 = arith.constant 32 : index
        %get3A_245 = tpu.vector_load %arg6[%get3A_243, %get3A_244] {strides = array<i32>} : memref<100x64xf32, #tpu.memory_space<vmem>>, vector<1x16xf32>,
        %get3A_246 = vector.shape_cast %get3A_245 : vector<1x16xf32> to vector<16xf32>
        %add3A_247 = arith.addf %scan3A_230, %get3A_246 : vector<16xf32>
        %get3A_248 = arith.index_cast %add3A_233 : i32 to index
        %get3A_249 = arith.constant 48 : index
        %get3A_250 = tpu.vector_load %arg6[%get3A_248, %get3A_249] {strides = array<i32>} : memref<100x64xf32, #tpu.memory_space<vmem>>, vector<1x16xf32>,
        %get3A_251 = vector.shape_cast %get3A_250 : vector<1x16xf32> to vector<16xf32>
        %add3A_252 = arith.addf %scan3A_231, %get3A_251 : vector<16xf32>
        scf.yield %add3A_237, %add3A_242, %add3A_247, %add3A_252 : vector<16xf32>, vector<16xf32>, vector<16xf32>, vector<16xf32>
      }
      %scan3A_89 = arith.constant 50 : i32
      %mul3A_90 = arith.constant 2 : i32
      %mul3A_91 = arith.muli %mul3A_17, %mul3A_90 : i32
      %add3A_92 = arith.constant 1 : i32
      %add3A_93 = arith.addi %mul3A_91, %add3A_92 : i32
      %mul3A_94 = vector.broadcast %scan3A_7 : f32 to vector<16xf32>
      %mul3A_95 = arith.mulf %scan3A_88#0, %mul3A_94 : vector<16xf32>
      %swap3A_96 = arith.index_cast %add3A_93 : i32 to index
      %swap3A_97 = arith.constant 0 : index
      %swap3A_98 = tpu.vector_load %arg8[%swap3A_96, %swap3A_97] {strides = array<i32>} : memref<128x64xf32, #tpu.memory_space<vmem>>, vector<1x16xf32>,
      %swap3A_99 = vector.shape_cast %swap3A_98 : vector<1x16xf32> to vector<16xf32>
      %swap3A_100 = vector.shape_cast %mul3A_95 : vector<16xf32> to vector<1x16xf32>
      tpu.vector_store %arg8[%swap3A_96, %swap3A_97], %swap3A_100 {strides = array<i32>} : memref<128x64xf32, #tpu.memory_space<vmem>>, vector<1x16xf32>,
      %mul3A_101 = vector.broadcast %scan3A_7 : f32 to vector<16xf32>
      %mul3A_102 = arith.mulf %scan3A_88#1, %mul3A_101 : vector<16xf32>
      %swap3A_103 = arith.index_cast %add3A_93 : i32 to index
      %swap3A_104 = arith.constant 16 : index
      %swap3A_105 = tpu.vector_load %arg8[%swap3A_103, %swap3A_104] {strides = array<i32>} : memref<128x64xf32, #tpu.memory_space<vmem>>, vector<1x16xf32>,
      %swap3A_106 = vector.shape_cast %swap3A_105 : vector<1x16xf32> to vector<16xf32>
      %swap3A_107 = vector.shape_cast %mul3A_102 : vector<16xf32> to vector<1x16xf32>
      tpu.vector_store %arg8[%swap3A_103, %swap3A_104], %swap3A_107 {strides = array<i32>} : memref<128x64xf32, #tpu.memory_space<vmem>>, vector<1x16xf32>,
      %mul3A_108 = vector.broadcast %scan3A_7 : f32 to vector<16xf32>
      %mul3A_109 = arith.mulf %scan3A_88#2, %mul3A_108 : vector<16xf32>
      %swap3A_110 = arith.index_cast %add3A_93 : i32 to index
      %swap3A_111 = arith.constant 32 : index
      %swap3A_112 = tpu.vector_load %arg8[%swap3A_110, %swap3A_111] {strides = array<i32>} : memref<128x64xf32, #tpu.memory_space<vmem>>, vector<1x16xf32>,
      %swap3A_113 = vector.shape_cast %swap3A_112 : vector<1x16xf32> to vector<16xf32>
      %swap3A_114 = vector.shape_cast %mul3A_109 : vector<16xf32> to vector<1x16xf32>
      tpu.vector_store %arg8[%swap3A_110, %swap3A_111], %swap3A_114 {strides = array<i32>} : memref<128x64xf32, #tpu.memory_space<vmem>>, vector<1x16xf32>,
      %mul3A_115 = vector.broadcast %scan3A_7 : f32 to vector<16xf32>
      %mul3A_116 = arith.mulf %scan3A_88#3, %mul3A_115 : vector<16xf32>
      %swap3A_117 = arith.index_cast %add3A_93 : i32 to index
      %swap3A_118 = arith.constant 48 : index
      %swap3A_119 = tpu.vector_load %arg8[%swap3A_117, %swap3A_118] {strides = array<i32>} : memref<128x64xf32, #tpu.memory_space<vmem>>, vector<1x16xf32>,
      %swap3A_120 = vector.shape_cast %swap3A_119 : vector<1x16xf32> to vector<16xf32>
      %swap3A_121 = vector.shape_cast %mul3A_116 : vector<16xf32> to vector<1x16xf32>
      tpu.vector_store %arg8[%swap3A_117, %swap3A_118], %swap3A_121 {strides = array<i32>} : memref<128x64xf32, #tpu.memory_space<vmem>>, vector<1x16xf32>,
      %add3A_122 = arith.constant 2 : i32
      %add3A_123 = arith.addi %mul3A_17, %add3A_122 : i32
      %lt3A = arith.constant 64 : i32
      %lt3A_124 = arith.cmpi slt, %add3A_123, %lt3A : i32
      %convert_element_type3A = arith.extui %lt3A_124 : i1 to i32
      %cond3A = arith.constant 0 : i32
      %cond3A_125 = arith.cmpi ne, %convert_element_type3A, %cond3A : i32
      scf.if %cond3A_125 {
        %add3A_227 = arith.constant 2 : i32
        %add3A_228 = arith.addi %mul3A_17, %add3A_227 : i32
        %dma_start3A_229 = arith.constant 0 : i32
        %dma_start3A_230 = tpu.memref_slice %arg5[%add3A_228, %dma_start3A_229] : memref<64x100xi32, #tpu.memory_space<vmem>> -> memref<1x100xi32, #tpu.memory_space<vmem>>
        %dma_start3A_231 = tpu.memref_squeeze %dma_start3A_230 : memref<1x100xi32, #tpu.memory_space<vmem>> -> memref<100xi32, #tpu.memory_space<vmem>>
        %dma_start3A_232 = arith.constant 0 : i32
        %dma_start3A_233 = arith.constant 0 : i32
        %dma_start3A_234 = tpu.memref_slice %arg3[%dma_start3A_232, %dma_start3A_233] : memref<1000000x64xf32, #tpu.memory_space<hbm>> -> memref<1000000x64xf32, #tpu.memory_space<hbm>>
        tpu.enqueue_indirect_dma source(%dma_start3A_234 : memref<1000000x64xf32, #tpu.memory_space<hbm>>) target(%arg6 : memref<100x64xf32, #tpu.memory_space<vmem>>) offsets(%dma_start3A_231 : memref<100xi32, #tpu.memory_space<vmem>>) semaphore(%arg9 : memref<!tpu.dma_semaphore, #tpu.memory_space<semaphore_mem>>)
      } else {
      }
      %dma_wait3A_126 = arith.constant 0 : i32
      %dma_wait3A_127 = arith.constant 0 : i32
      %dma_wait3A_128 = tpu.memref_slice %arg5[%dma_wait3A_126, %dma_wait3A_127] : memref<64x100xi32, #tpu.memory_space<vmem>> -> memref<1x100xi32, #tpu.memory_space<vmem>>
      %dma_wait3A_129 = tpu.memref_squeeze %dma_wait3A_128 : memref<1x100xi32, #tpu.memory_space<vmem>> -> memref<100xi32, #tpu.memory_space<vmem>>
      %dma_wait3A_130 = arith.constant 0 : i32
      %dma_wait3A_131 = arith.constant 0 : i32
      %dma_wait3A_132 = tpu.memref_slice %arg3[%dma_wait3A_130, %dma_wait3A_131] : memref<1000000x64xf32, #tpu.memory_space<hbm>> -> memref<1000000x64xf32, #tpu.memory_space<hbm>>
      tpu.wait_indirect_dma semaphore(%arg10 : memref<!tpu.dma_semaphore, #tpu.memory_space<semaphore_mem>>) src(%dma_wait3A_132 : memref<1000000x64xf32, #tpu.memory_space<hbm>>) dst(%arg7 : memref<100x64xf32, #tpu.memory_space<vmem>>)
      %add3A_133 = arith.constant 1 : i32
      %add3A_134 = arith.addi %mul3A_17, %add3A_133 : i32
      %broadcast_in_dim3A_135 = arith.constant 0.000000e+00 : f32
      %broadcast_in_dim3A_136 = vector.broadcast %broadcast_in_dim3A_135 : f32 to vector<16xf32>
      %broadcast_in_dim3A_137 = arith.constant 0.000000e+00 : f32
      %broadcast_in_dim3A_138 = vector.broadcast %broadcast_in_dim3A_137 : f32 to vector<16xf32>
      %broadcast_in_dim3A_139 = arith.constant 0.000000e+00 : f32
      %broadcast_in_dim3A_140 = vector.broadcast %broadcast_in_dim3A_139 : f32 to vector<16xf32>
      %broadcast_in_dim3A_141 = arith.constant 0.000000e+00 : f32
      %broadcast_in_dim3A_142 = vector.broadcast %broadcast_in_dim3A_141 : f32 to vector<16xf32>
      %scan3A_143 = arith.constant 0 : i32
      %scan3A_144 = arith.constant 50 : i32
      %scan3A_145 = arith.addi %scan3A_143, %scan3A_144 : i32
      %scan3A_146 = arith.constant 1 : i32
      %scan3A_147:4 = scf.for %scan3A_227 = %scan3A_143 to %scan3A_145 step %scan3A_146 iter_args(%scan3A_228 = %broadcast_in_dim3A_136, %scan3A_229 = %broadcast_in_dim3A_138, %scan3A_230 = %broadcast_in_dim3A_140, %scan3A_231 = %broadcast_in_dim3A_142) -> (vector<16xf32>, vector<16xf32>, vector<16xf32>, vector<16xf32>)  : i32 {
        %add3A_232 = arith.constant 0 : i32
        %add3A_233 = arith.addi %add3A_232, %scan3A_227 : i32
        %get3A = arith.index_cast %add3A_233 : i32 to index
        %get3A_234 = arith.constant 0 : index
        %get3A_235 = tpu.vector_load %arg7[%get3A, %get3A_234] {strides = array<i32>} : memref<100x64xf32, #tpu.memory_space<vmem>>, vector<1x16xf32>,
        %get3A_236 = vector.shape_cast %get3A_235 : vector<1x16xf32> to vector<16xf32>
        %add3A_237 = arith.addf %scan3A_228, %get3A_236 : vector<16xf32>
        %get3A_238 = arith.index_cast %add3A_233 : i32 to index
        %get3A_239 = arith.constant 16 : index
        %get3A_240 = tpu.vector_load %arg7[%get3A_238, %get3A_239] {strides = array<i32>} : memref<100x64xf32, #tpu.memory_space<vmem>>, vector<1x16xf32>,
        %get3A_241 = vector.shape_cast %get3A_240 : vector<1x16xf32> to vector<16xf32>
        %add3A_242 = arith.addf %scan3A_229, %get3A_241 : vector<16xf32>
        %get3A_243 = arith.index_cast %add3A_233 : i32 to index
        %get3A_244 = arith.constant 32 : index
        %get3A_245 = tpu.vector_load %arg7[%get3A_243, %get3A_244] {strides = array<i32>} : memref<100x64xf32, #tpu.memory_space<vmem>>, vector<1x16xf32>,
        %get3A_246 = vector.shape_cast %get3A_245 : vector<1x16xf32> to vector<16xf32>
        %add3A_247 = arith.addf %scan3A_230, %get3A_246 : vector<16xf32>
        %get3A_248 = arith.index_cast %add3A_233 : i32 to index
        %get3A_249 = arith.constant 48 : index
        %get3A_250 = tpu.vector_load %arg7[%get3A_248, %get3A_249] {strides = array<i32>} : memref<100x64xf32, #tpu.memory_space<vmem>>, vector<1x16xf32>,
        %get3A_251 = vector.shape_cast %get3A_250 : vector<1x16xf32> to vector<16xf32>
        %add3A_252 = arith.addf %scan3A_231, %get3A_251 : vector<16xf32>
        scf.yield %add3A_237, %add3A_242, %add3A_247, %add3A_252 : vector<16xf32>, vector<16xf32>, vector<16xf32>, vector<16xf32>
      }
      %scan3A_148 = arith.constant 50 : i32
      %mul3A_149 = arith.constant 2 : i32
      %mul3A_150 = arith.muli %add3A_134, %mul3A_149 : i32
      %add3A_151 = arith.constant 0 : i32
      %add3A_152 = arith.addi %mul3A_150, %add3A_151 : i32
      %mul3A_153 = vector.broadcast %scan3A_7 : f32 to vector<16xf32>
      %mul3A_154 = arith.mulf %scan3A_147#0, %mul3A_153 : vector<16xf32>
      %swap3A_155 = arith.index_cast %add3A_152 : i32 to index
      %swap3A_156 = arith.constant 0 : index
      %swap3A_157 = tpu.vector_load %arg8[%swap3A_155, %swap3A_156] {strides = array<i32>} : memref<128x64xf32, #tpu.memory_space<vmem>>, vector<1x16xf32>,
      %swap3A_158 = vector.shape_cast %swap3A_157 : vector<1x16xf32> to vector<16xf32>
      %swap3A_159 = vector.shape_cast %mul3A_154 : vector<16xf32> to vector<1x16xf32>
      tpu.vector_store %arg8[%swap3A_155, %swap3A_156], %swap3A_159 {strides = array<i32>} : memref<128x64xf32, #tpu.memory_space<vmem>>, vector<1x16xf32>,
      %mul3A_160 = vector.broadcast %scan3A_7 : f32 to vector<16xf32>
      %mul3A_161 = arith.mulf %scan3A_147#1, %mul3A_160 : vector<16xf32>
      %swap3A_162 = arith.index_cast %add3A_152 : i32 to index
      %swap3A_163 = arith.constant 16 : index
      %swap3A_164 = tpu.vector_load %arg8[%swap3A_162, %swap3A_163] {strides = array<i32>} : memref<128x64xf32, #tpu.memory_space<vmem>>, vector<1x16xf32>,
      %swap3A_165 = vector.shape_cast %swap3A_164 : vector<1x16xf32> to vector<16xf32>
      %swap3A_166 = vector.shape_cast %mul3A_161 : vector<16xf32> to vector<1x16xf32>
      tpu.vector_store %arg8[%swap3A_162, %swap3A_163], %swap3A_166 {strides = array<i32>} : memref<128x64xf32, #tpu.memory_space<vmem>>, vector<1x16xf32>,
      %mul3A_167 = vector.broadcast %scan3A_7 : f32 to vector<16xf32>
      %mul3A_168 = arith.mulf %scan3A_147#2, %mul3A_167 : vector<16xf32>
      %swap3A_169 = arith.index_cast %add3A_152 : i32 to index
      %swap3A_170 = arith.constant 32 : index
      %swap3A_171 = tpu.vector_load %arg8[%swap3A_169, %swap3A_170] {strides = array<i32>} : memref<128x64xf32, #tpu.memory_space<vmem>>, vector<1x16xf32>,
      %swap3A_172 = vector.shape_cast %swap3A_171 : vector<1x16xf32> to vector<16xf32>
      %swap3A_173 = vector.shape_cast %mul3A_168 : vector<16xf32> to vector<1x16xf32>
      tpu.vector_store %arg8[%swap3A_169, %swap3A_170], %swap3A_173 {strides = array<i32>} : memref<128x64xf32, #tpu.memory_space<vmem>>, vector<1x16xf32>,
      %mul3A_174 = vector.broadcast %scan3A_7 : f32 to vector<16xf32>
      %mul3A_175 = arith.mulf %scan3A_147#3, %mul3A_174 : vector<16xf32>
      %swap3A_176 = arith.index_cast %add3A_152 : i32 to index
      %swap3A_177 = arith.constant 48 : index
      %swap3A_178 = tpu.vector_load %arg8[%swap3A_176, %swap3A_177] {strides = array<i32>} : memref<128x64xf32, #tpu.memory_space<vmem>>, vector<1x16xf32>,
      %swap3A_179 = vector.shape_cast %swap3A_178 : vector<1x16xf32> to vector<16xf32>
      %swap3A_180 = vector.shape_cast %mul3A_175 : vector<16xf32> to vector<1x16xf32>
      tpu.vector_store %arg8[%swap3A_176, %swap3A_177], %swap3A_180 {strides = array<i32>} : memref<128x64xf32, #tpu.memory_space<vmem>>, vector<1x16xf32>,
      %broadcast_in_dim3A_181 = arith.constant 0.000000e+00 : f32
      %broadcast_in_dim3A_182 = vector.broadcast %broadcast_in_dim3A_181 : f32 to vector<16xf32>
      %broadcast_in_dim3A_183 = arith.constant 0.000000e+00 : f32
      %broadcast_in_dim3A_184 = vector.broadcast %broadcast_in_dim3A_183 : f32 to vector<16xf32>
      %broadcast_in_dim3A_185 = arith.constant 0.000000e+00 : f32
      %broadcast_in_dim3A_186 = vector.broadcast %broadcast_in_dim3A_185 : f32 to vector<16xf32>
      %broadcast_in_dim3A_187 = arith.constant 0.000000e+00 : f32
      %broadcast_in_dim3A_188 = vector.broadcast %broadcast_in_dim3A_187 : f32 to vector<16xf32>
      %scan3A_189 = arith.constant 0 : i32
      %scan3A_190 = arith.constant 50 : i32
      %scan3A_191 = arith.addi %scan3A_189, %scan3A_190 : i32
      %scan3A_192 = arith.constant 1 : i32
      %scan3A_193:4 = scf.for %scan3A_227 = %scan3A_189 to %scan3A_191 step %scan3A_192 iter_args(%scan3A_228 = %broadcast_in_dim3A_182, %scan3A_229 = %broadcast_in_dim3A_184, %scan3A_230 = %broadcast_in_dim3A_186, %scan3A_231 = %broadcast_in_dim3A_188) -> (vector<16xf32>, vector<16xf32>, vector<16xf32>, vector<16xf32>)  : i32 {
        %add3A_232 = arith.constant 50 : i32
        %add3A_233 = arith.addi %add3A_232, %scan3A_227 : i32
        %get3A = arith.index_cast %add3A_233 : i32 to index
        %get3A_234 = arith.constant 0 : index
        %get3A_235 = tpu.vector_load %arg7[%get3A, %get3A_234] {strides = array<i32>} : memref<100x64xf32, #tpu.memory_space<vmem>>, vector<1x16xf32>,
        %get3A_236 = vector.shape_cast %get3A_235 : vector<1x16xf32> to vector<16xf32>
        %add3A_237 = arith.addf %scan3A_228, %get3A_236 : vector<16xf32>
        %get3A_238 = arith.index_cast %add3A_233 : i32 to index
        %get3A_239 = arith.constant 16 : index
        %get3A_240 = tpu.vector_load %arg7[%get3A_238, %get3A_239] {strides = array<i32>} : memref<100x64xf32, #tpu.memory_space<vmem>>, vector<1x16xf32>,
        %get3A_241 = vector.shape_cast %get3A_240 : vector<1x16xf32> to vector<16xf32>
        %add3A_242 = arith.addf %scan3A_229, %get3A_241 : vector<16xf32>
        %get3A_243 = arith.index_cast %add3A_233 : i32 to index
        %get3A_244 = arith.constant 32 : index
        %get3A_245 = tpu.vector_load %arg7[%get3A_243, %get3A_244] {strides = array<i32>} : memref<100x64xf32, #tpu.memory_space<vmem>>, vector<1x16xf32>,
        %get3A_246 = vector.shape_cast %get3A_245 : vector<1x16xf32> to vector<16xf32>
        %add3A_247 = arith.addf %scan3A_230, %get3A_246 : vector<16xf32>
        %get3A_248 = arith.index_cast %add3A_233 : i32 to index
        %get3A_249 = arith.constant 48 : index
        %get3A_250 = tpu.vector_load %arg7[%get3A_248, %get3A_249] {strides = array<i32>} : memref<100x64xf32, #tpu.memory_space<vmem>>, vector<1x16xf32>,
        %get3A_251 = vector.shape_cast %get3A_250 : vector<1x16xf32> to vector<16xf32>
        %add3A_252 = arith.addf %scan3A_231, %get3A_251 : vector<16xf32>
        scf.yield %add3A_237, %add3A_242, %add3A_247, %add3A_252 : vector<16xf32>, vector<16xf32>, vector<16xf32>, vector<16xf32>
      }
      %scan3A_194 = arith.constant 50 : i32
      %mul3A_195 = arith.constant 2 : i32
      %mul3A_196 = arith.muli %add3A_134, %mul3A_195 : i32
      %add3A_197 = arith.constant 1 : i32
      %add3A_198 = arith.addi %mul3A_196, %add3A_197 : i32
      %mul3A_199 = vector.broadcast %scan3A_7 : f32 to vector<16xf32>
      %mul3A_200 = arith.mulf %scan3A_193#0, %mul3A_199 : vector<16xf32>
      %swap3A_201 = arith.index_cast %add3A_198 : i32 to index
      %swap3A_202 = arith.constant 0 : index
      %swap3A_203 = tpu.vector_load %arg8[%swap3A_201, %swap3A_202] {strides = array<i32>} : memref<128x64xf32, #tpu.memory_space<vmem>>, vector<1x16xf32>,
      %swap3A_204 = vector.shape_cast %swap3A_203 : vector<1x16xf32> to vector<16xf32>
      %swap3A_205 = vector.shape_cast %mul3A_200 : vector<16xf32> to vector<1x16xf32>
      tpu.vector_store %arg8[%swap3A_201, %swap3A_202], %swap3A_205 {strides = array<i32>} : memref<128x64xf32, #tpu.memory_space<vmem>>, vector<1x16xf32>,
      %mul3A_206 = vector.broadcast %scan3A_7 : f32 to vector<16xf32>
      %mul3A_207 = arith.mulf %scan3A_193#1, %mul3A_206 : vector<16xf32>
      %swap3A_208 = arith.index_cast %add3A_198 : i32 to index
      %swap3A_209 = arith.constant 16 : index
      %swap3A_210 = tpu.vector_load %arg8[%swap3A_208, %swap3A_209] {strides = array<i32>} : memref<128x64xf32, #tpu.memory_space<vmem>>, vector<1x16xf32>,
      %swap3A_211 = vector.shape_cast %swap3A_210 : vector<1x16xf32> to vector<16xf32>
      %swap3A_212 = vector.shape_cast %mul3A_207 : vector<16xf32> to vector<1x16xf32>
      tpu.vector_store %arg8[%swap3A_208, %swap3A_209], %swap3A_212 {strides = array<i32>} : memref<128x64xf32, #tpu.memory_space<vmem>>, vector<1x16xf32>,
      %mul3A_213 = vector.broadcast %scan3A_7 : f32 to vector<16xf32>
      %mul3A_214 = arith.mulf %scan3A_193#2, %mul3A_213 : vector<16xf32>
      %swap3A_215 = arith.index_cast %add3A_198 : i32 to index
      %swap3A_216 = arith.constant 32 : index
      %swap3A_217 = tpu.vector_load %arg8[%swap3A_215, %swap3A_216] {strides = array<i32>} : memref<128x64xf32, #tpu.memory_space<vmem>>, vector<1x16xf32>,
      %swap3A_218 = vector.shape_cast %swap3A_217 : vector<1x16xf32> to vector<16xf32>
      %swap3A_219 = vector.shape_cast %mul3A_214 : vector<16xf32> to vector<1x16xf32>
      tpu.vector_store %arg8[%swap3A_215, %swap3A_216], %swap3A_219 {strides = array<i32>} : memref<128x64xf32, #tpu.memory_space<vmem>>, vector<1x16xf32>,
      %mul3A_220 = vector.broadcast %scan3A_7 : f32 to vector<16xf32>
      %mul3A_221 = arith.mulf %scan3A_193#3, %mul3A_220 : vector<16xf32>
      %swap3A_222 = arith.index_cast %add3A_198 : i32 to index
      %swap3A_223 = arith.constant 48 : index
      %swap3A_224 = tpu.vector_load %arg8[%swap3A_222, %swap3A_223] {strides = array<i32>} : memref<128x64xf32, #tpu.memory_space<vmem>>, vector<1x16xf32>,
      %swap3A_225 = vector.shape_cast %swap3A_224 : vector<1x16xf32> to vector<16xf32>
      %swap3A_226 = vector.shape_cast %mul3A_221 : vector<16xf32> to vector<1x16xf32>
      tpu.vector_store %arg8[%swap3A_222, %swap3A_223], %swap3A_226 {strides = array<i32>} : memref<128x64xf32, #tpu.memory_space<vmem>>, vector<1x16xf32>,
    }
    %scan3A_12 = arith.constant 32 : i32
    %mul3A_13 = arith.constant 128 : i32
    %mul3A_14 = arith.muli %add3A, %mul3A_13 : i32
    "tpu.region"() ({
      %run_scoped3A = tpu.sem_alloc : memref<!tpu.dma_semaphore, #tpu.memory_space<semaphore_mem>>
      %dma_start3A_15 = arith.constant 0 : i32
      %dma_start3A_16 = tpu.memref_slice %arg4[%mul3A_14, %dma_start3A_15] : memref<4096x64xf32, #tpu.memory_space<hbm>> -> memref<128x64xf32, #tpu.memory_space<hbm>>
      %dma_start3A_17 = arith.constant 0 : i32
      %dma_start3A_18 = tpu.memref_slice %arg4[%mul3A_14, %dma_start3A_17] : memref<4096x64xf32, #tpu.memory_space<hbm>> -> memref<128x64xf32, #tpu.memory_space<hbm>>
      tpu.enqueue_dma source(%arg8 : memref<128x64xf32, #tpu.memory_space<vmem>>) target(%dma_start3A_18 : memref<128x64xf32, #tpu.memory_space<hbm>>) target_semaphore(%run_scoped3A : memref<!tpu.dma_semaphore, #tpu.memory_space<semaphore_mem>>)
      %dma_wait3A = arith.constant 0 : i32
      %dma_wait3A_19 = tpu.memref_slice %arg4[%mul3A_14, %dma_wait3A] : memref<4096x64xf32, #tpu.memory_space<hbm>> -> memref<128x64xf32, #tpu.memory_space<hbm>>
      %dma_wait3A_20 = arith.constant 0 : i32
      %dma_wait3A_21 = tpu.memref_slice %arg4[%mul3A_14, %dma_wait3A_20] : memref<4096x64xf32, #tpu.memory_space<hbm>> -> memref<128x64xf32, #tpu.memory_space<hbm>>
      tpu.wait_dma2 semaphore(%run_scoped3A : memref<!tpu.dma_semaphore, #tpu.memory_space<semaphore_mem>>) src(%arg8 : memref<128x64xf32, #tpu.memory_space<vmem>>) dst(%dma_wait3A_21 : memref<128x64xf32, #tpu.memory_space<hbm>>)
      tpu.yield
    }) : () -> ()
    return
  }
}

module attributes {stable_mosaic.version = 14 : i64} {
  func.func @mm_body(%arg0: i32, %arg1: memref<512x64xf32, #tpu.memory_space<vmem>>, %arg2: memref<64x128xf32, #tpu.memory_space<vmem>>, %arg3: memref<1x128xf32, #tpu.memory_space<vmem>>, %arg4: memref<512x128xf32, #tpu.memory_space<vmem>>) attributes {dimension_semantics = [#tpu.dimension_semantics<arbitrary>], iteration_bounds = array<i64: 8>, scalar_prefetch = 0 : i64, scratch_operands = 0 : i64, tpu.core_type = #tpu.core_type<tc>, window_params = [{transform_indices = @transform_0, window_bounds = array<i64: 512, 64>}, {pipeline_mode = #tpu.pipeline_mode<synchronous>, transform_indices = @transform_1, window_bounds = array<i64: 64, 128>}, {pipeline_mode = #tpu.pipeline_mode<synchronous>, transform_indices = @transform_2, window_bounds = array<i64: 1, 128>}, {transform_indices = @transform_3, window_bounds = array<i64: 512, 128>}]} {
    %get3A = arith.constant 0 : index
    %get3A_0 = arith.constant 0 : index
    %get3A_1 = vector.load %arg1[%get3A, %get3A_0] : memref<512x64xf32, #tpu.memory_space<vmem>>, vector<512x64xf32>
    %get3A_2 = arith.constant 0 : index
    %get3A_3 = arith.constant 0 : index
    %get3A_4 = vector.load %arg2[%get3A_2, %get3A_3] : memref<64x128xf32, #tpu.memory_space<vmem>>, vector<64x128xf32>
    %dot_general3A = arith.constant dense<0.000000e+00> : vector<512x128xf32>
    %dot_general3A_5 = tpu.matmul %get3A_1, %get3A_4, %dot_general3A {dimension_numbers = #tpu.dot_dimension_numbers<[1], [0], [0], [1], [0, 0, 1, 1], [], []>, transpose_lhs_hint = false} : vector<512x64xf32>, vector<64x128xf32>, vector<512x128xf32> -> vector<512x128xf32>
    %get3A_6 = arith.constant 0 : index
    %get3A_7 = arith.constant 0 : index
    %get3A_8 = vector.load %arg3[%get3A_6, %get3A_7] : memref<1x128xf32, #tpu.memory_space<vmem>>, vector<1x128xf32>
    %add3A = vector.broadcast %get3A_8 : vector<1x128xf32> to vector<512x128xf32>
    %add3A_9 = arith.addf %dot_general3A_5, %add3A : vector<512x128xf32>
    %swap3A = arith.constant 0 : index
    %swap3A_10 = arith.constant 0 : index
    %swap3A_11 = vector.load %arg4[%swap3A, %swap3A_10] : memref<512x128xf32, #tpu.memory_space<vmem>>, vector<512x128xf32>
    tpu.vector_store %arg4[%swap3A, %swap3A_10], %add3A_9 {strides = array<i32>} : memref<512x128xf32, #tpu.memory_space<vmem>>, vector<512x128xf32>,
    return
  }
  func.func @transform_0(%arg0: i32) -> (i32, i32) {
    %c0_i32 = arith.constant 0 : i32
    %c0_i32_0 = arith.constant 0 : i32
    return %arg0, %c0_i32 : i32, i32
  }
  func.func @transform_1(%arg0: i32) -> (i32, i32) {
    %c0_i32 = arith.constant 0 : i32
    %c0_i32_0 = arith.constant 0 : i32
    %c0_i32_1 = arith.constant 0 : i32
    return %c0_i32, %c0_i32_0 : i32, i32
  }
  func.func @transform_2(%arg0: i32) -> (i32, i32) {
    %c0_i32 = arith.constant 0 : i32
    %c0_i32_0 = arith.constant 0 : i32
    %c0_i32_1 = arith.constant 0 : i32
    return %c0_i32, %c0_i32_0 : i32, i32
  }
  func.func @transform_3(%arg0: i32) -> (i32, i32) {
    %c0_i32 = arith.constant 0 : i32
    %c0_i32_0 = arith.constant 0 : i32
    return %arg0, %c0_i32 : i32, i32
  }
}

</mosaic_0001>

<sc_bundles>
// kernel: kernel.4.cloned.1.call-start
scs
__scs_entry_jumppad:
0x0: {  	(pc) =	sbr.rel $0x88, $3  }
0x1: {  	(tag) =	ssettag $0x0;
	lr =	simm.s32 $0x1  }
0x2: {  	[smem:$0x3F9D] =	sst lr;
	_ =	strace $0xD0000000  }
0x3: {  	_ = 	snop  }
0x4: {  	_ = 	snop  }
0x5: {  	_ = 	snop  }
0x6: {  	_ = 	snop  }
0x7: {  	_ = 	snop  }
__scs_overlays_trampoline_lowered:
0x8: {  	[smem:$0x3FAC] =	sst s0  }
0x9: {  	[smem:$0x3FAD] =	sst s1  }
0xa: {  	[smem:$0x3FAE] =	sst s2  }
0xb: {  	[smem:$0x3FAF] =	sst s3  }
0xc: {  	[smem:$0x3FB0] =	sst s4  }
0xd: {  	[smem:$0x3FB1] =	sst s5  }
0xe: {  	[smem:$0x3FB2] =	sst s6  }
0xf: {  	[smem:$0x3FB3] =	sst s7  }
0x10: {  	[smem:$0x3FB4] =	sst s8  }
0x11: {  	[smem:$0x3FB5] =	sst s9;
	s0 =	simm.s32 @!p0 $0x0  }
0x12: {  	s1 =	sld [smem:$0x3F9B];
	s0 =	simm.s32 @p0 $0x1  }
0x13: {  	[smem:$0x3FB6] =	sst s0;
	s0 =	simm.s32 @!p1 $0x0  }
0x14: {  	s2 =	sld [smem:$0x3F9A];
	s0 =	simm.s32 @p1 $0x1  }
0x15: {  	[smem:$0x3FB7] =	sst s0;
	s0 =	simm.s32 @!p2 $0x0  }
0x16: {  	s3 =	sld [smem:$0x3FDB];
	s0 =	simm.s32 @p2 $0x1  }
0x17: {  	s4 =	simm.s32 $0x1BF5;
	[smem:$0x3FB9] =	sst s0  }
0x18: {  	s0 =	sld [smem:$0x3F9C];
	_ =	swait.ge [sflag:s4], $0x0  }
0x19: {  	s7 =	sld [smem:$0x3F9D]  }
0x1a: {  	s8 =	sadd.s32 $0xFFFFE003, lr  }
0x1b: {  	s9 =	sadd.s32 $0xFFFFFEF7, lr;
	s5 =	simm.s32 $0xFFFFFFFF;
	p2 =	slt.u32 s8, $0xFFFFF086  }
0x1c: {  	p1 =	slt.u32 s9, $0xF7A;
	s5 =	simm.s32 @!p2 $0x0  }
0x1d: {  	s5 =	simm.s32 @p1 $0x1;
	p0 =	seq.s32 s7, s2  }
0x1e: {  	s7 =	smul.u32 @!p0 $0xF7A, s2;
	p2 =	seq.s32 @!p0 s5, $0x0  }
0x1f: {  	s9 =	smul.u32 $0xF7A, s1;
	s8 =	simm.s32 @!p0 $0x1BF5;
	p2 =	por !p2, p0  }
0x20: {  	[sflag:s8] =	ssyncset.s32 @!p0 $0xFFFFF086;
	s6 =	sadd.s32 @!p0 s3, s7;
	s7 =	simm.s32 @!p0 $0x108  }
0x21: {  	s3 =	sadd.s32 s3, s9;
	s6 =	sadd.s32 @!p0 $0x88, s6;
	s7 =	simm.s32 @p2 $0x1082  }
0x22: {  	[simem:s7], [sflag:s8] =	dma.local @!p0 [hbm:s6], $0xF7A  }
0x23: {  	s9 =	sor.u32 $0xD0000000, s2;
	s6 =	simm.s32 $0x108;
	_ =	swait.ge @!p0 [sflag:s8], $0x0  }
0x24: {  	s3 =	sadd.s32 $0x88, s3;
	s6 =	simm.s32 @!p1 $0x1082;
	[sflag:s4] =	ssyncset.s32 $0xFFFFF086  }
0x25: {  	[simem:s6], [sflag:s4] =	dma.local [hbm:s3], $0xF7A  }
0x26: {  	[smem:$0x3F9D] =	sst s1;
	(tag) =	ssettag s2;
	_ =	strace s9  }
0x27: {  	s1 =	sld [smem:$0x3FAD]  }
0x28: {  	s2 =	sld [smem:$0x3FAE]  }
0x29: {  	s4 =	sld [smem:$0x3FB0]  }
0x2a: {  	p0 =	seq.s32 s5, $0x0;
	s5 =	sld [smem:$0x3FB1]  }
0x2b: {  	s6 =	sld [smem:$0x3FB2]  }
0x2c: {  	s7 =	sld [smem:$0x3FB3]  }
0x2d: {  	s3 =	simm.s32 $0x108;
	s8 =	sld [smem:$0x3FB4]  }
0x2e: {  	s3 =	simm.s32 @!p0 $0x1082;
	s9 =	sld [smem:$0x3FB5]  }
0x2f: {  	lr =	sadd.s32 s0, s3;
	s0 =	sld [smem:$0x3FAC]  }
0x30: {  	s3 =	sld [smem:$0x3FAF]  }
0x31: {  	[smem:$0x3FB8] =	sst s10  }
0x32: {  	s10 =	sld [smem:$0x3FB6];
	_ =	sdelay $0x3  }
0x33: {  	p0 =	seq.s32 s10, $0x1;
	s10 =	sld [smem:$0x3FB8];
	_ =	sdelay $0x3  }
0x34: {  	[smem:$0x3FB8] =	sst s10  }
0x35: {  	s10 =	sld [smem:$0x3FB7];
	_ =	sdelay $0x3  }
0x36: {  	p1 =	seq.s32 s10, $0x1;
	s10 =	sld [smem:$0x3FB8];
	_ =	sdelay $0x3  }
0x37: {  	[smem:$0x3FB8] =	sst s10  }
0x38: {  	s10 =	sld [smem:$0x3FB9]  }
0x39: {  	_ = 	snop;
	(pc) =	sbr.ind lr, $3  }
0x3a: {  	_ = 	snop  }
0x3b: {  	_ = 	snop  }
0x3c: {  	p2 =	seq.s32 s10, $0x1;
	s10 =	sld [smem:$0x3FB8]  }
0x3d: {  	_ =	shalt  }
0x3e: {  	_ =	shalt  }
0x3f: {  	_ =	shalt  }
0x40: {  	_ =	shalt  }
0x41: {  	_ =	shalt  }
0x42: {  	_ =	shalt  }
0x43: {  	_ =	shalt  }
0x44: {  	_ =	shalt  }
0x45: {  	_ =	shalt  }
0x46: {  	_ =	shalt  }
0x47: {  	_ =	shalt  }
0x48: {  	_ =	shalt  }
0x49: {  	_ =	shalt  }
0x4a: {  	_ =	shalt  }
0x4b: {  	_ =	shalt  }
0x4c: {  	_ =	shalt  }
0x4d: {  	_ =	shalt  }
0x4e: {  	_ =	shalt  }
0x4f: {  	_ =	shalt  }
0x50: {  	_ =	shalt  }
0x51: {  	_ =	shalt  }
0x52: {  	_ =	shalt  }
0x53: {  	_ =	shalt  }
0x54: {  	_ =	shalt  }
0x55: {  	_ =	shalt  }
0x56: {  	_ =	shalt  }
0x57: {  	_ =	shalt  }
0x58: {  	_ =	shalt  }
0x59: {  	_ =	shalt  }
0x5a: {  	_ =	shalt  }
0x5b: {  	_ =	shalt  }
0x5c: {  	_ =	shalt  }
0x5d: {  	_ =	shalt  }
0x5e: {  	_ =	shalt  }
0x5f: {  	_ =	shalt  }
0x60: {  	_ =	shalt  }
0x61: {  	_ =	shalt  }
0x62: {  	_ =	shalt  }
0x63: {  	_ =	shalt  }
0x64: {  	_ =	shalt  }
0x65: {  	_ =	shalt  }
0x66: {  	_ =	shalt  }
0x67: {  	_ =	shalt  }
0x68: {  	_ =	shalt  }
0x69: {  	_ =	shalt  }
0x6a: {  	_ =	shalt  }
0x6b: {  	_ =	shalt  }
0x6c: {  	_ =	shalt  }
0x6d: {  	_ =	shalt  }
0x6e: {  	_ =	shalt  }
0x6f: {  	_ =	shalt  }
0x70: {  	_ =	shalt  }
0x71: {  	_ =	shalt  }
0x72: {  	_ =	shalt  }
0x73: {  	_ =	shalt  }
0x74: {  	_ =	shalt  }
0x75: {  	_ =	shalt  }
0x76: {  	_ =	shalt  }
0x77: {  	_ =	shalt  }
0x78: {  	_ =	shalt  }
0x79: {  	_ =	shalt  }
0x7a: {  	_ =	shalt  }
0x7b: {  	_ =	shalt  }
0x7c: {  	_ =	shalt  }
0x7d: {  	_ =	shalt  }
0x7e: {  	_ =	shalt  }
0x7f: {  	_ =	shalt  }
0x80: {  	_ =	shalt  }
0x81: {  	_ =	shalt  }
0x82: {  	_ =	shalt  }
0x83: {  	_ =	shalt  }
0x84: {  	_ =	shalt  }
0x85: {  	_ =	shalt  }
0x86: {  	_ =	shalt  }
0x87: {  	_ =	shalt  }
.Lfunc_end0:
.L_simem_size_0:
called_computation_lowered:
.L_overlay_start_0:
0x88: {  	s2 =	sld [smem:$0x3FD9]  }
0x89: {  	s3 =	sld [smem:$0x3FFE];
	_ =	sdelay $0x1  }
0x8a: {  	s1 =	srdreg.scid  }
0x8b: {  	s0 =	sand.u32 $0x1, s1  }
0x8c: {  	s17 =	sshll.u32 s0, $0xA;
	s2 =	sadd.s32 s3, s2  }
0x8d: {  	s2 =	sadd.s32 s2, s17  }
0x8e: {  	[smem:$0x3FC4] =	sst s2  }
0x8f: {  	_ = 	snop  }
0x90: {  	s2 =	sld [smem:$0x3FD0];
	(tm) =	ssettm $0x1  }
0x91: {  	s18 =	sld [smem:$0x3FFB];
	_ =	sdelay $0x3  }
0x92: {  	_ =	strace s18  }
0x93: {  	s3 =	sld [smem:$0x3FFC];
	_ =	sdelay $0x3  }
0x94: {  	_ =	strace s3  }
0x95: {  	s3 =	sld [smem:$0x3FFD];
	_ =	sdelay $0x3  }
0x96: {  	_ =	strace s3  }
0x97: {  	_ =	strace $0x8FFFFFFF  }
0x98: {  	s19 =	sld [smem:$0x3FDB];
	_ =	sdelay $0x1  }
0x99: {  	s4 =	simm.s32 $_scs_section_size  }
0x9a: {  	s5 =	simm.s32 $_size__tile_overlayer_lowered;
	s6 =	simm.s32 $_tile_overlayer_lowered  }
0x9b: {  	s22 =	simm.s32 $0x1BFF;
	s21 =	sshll.u32 s6, $0x1;
	s3 =	sadd.s32 s4, s19  }
0x9c: {  	s7 =	simm.s32 $0x0;
	s20 =	sshll.u32 s5, $0x1;
	s5 =	sadd.s32 s21, s3  }
0x9d: {  	[timem:s7], [sflag:s22] =	dma.local [hbm:s5], s20  }
0x9e: {  	_ =	swait.ge [sflag:s22], s20  }
0x9f: {  	s4 =	ssub.s32 $0x0, s20;
	[sflag:s22] =	ssyncset.done $0x0  }
0xa0: {  	[sflag:s22] =	ssyncadd.s32 s4;
	_ =	sdelay $0x1  }
0xa1: {  	s23 =	simm.s32 $0x1B8B  }
0xa2: {  	_ =	swait.ge [sflag:s23], $0x1  }
0xa3: {  	[sflag:s23] =	ssyncset.done $0x0  }
0xa4: {  	s25 =	simm.s32 $0x1B8E;
	s24 =	sld [smem:$0x3FFE];
	[sflag:s23] =	ssyncadd.s32 $0xFFFFFFFF  }
0xa5: {  	s26 =	simm.s32 $execute0_lowered;
	[smem:$0x3FD2] =	sst s25  }
0xa6: {  	s5 =	sshll.u32 s26, $0x1;
	_ =	strace $0x80000046;
	[dreg:$0x1] =	wrdreg $0xFFFFFFFF  }
0xa7: {  	s28 =	simm.s32 $_size_execute0_lowered;
	s3 =	sadd.s32 s3, s5;
	[dreg:$0x0] =	wrdreg $0x0  }
0xa8: {  	s5 =	sshll.u32 s28, $0x1;
	[dreg:$0x2] =	wrdreg s3  }
0xa9: {  	[dreg:$0x3] =	wrdreg s5  }
0xaa: {  	[dreg:$0x4] =	wrdreg $0xC0  }
0xab: {  	_ =	task [dreg:s7], $0x5FFFF  }
0xac: {  	[dreg:$0x1] =	wrdreg $0xFFFFFFFF  }
0xad: {  	[dreg:$0x0] =	wrdreg $0x60  }
0xae: {  	[dreg:$0x2] =	wrdreg s24  }
0xaf: {  	[dreg:$0x3] =	wrdreg s2  }
0xb0: {  	[dreg:$0x4] =	wrdreg $0x9  }
0xb1: {  	_ =	task.clear_ibuf [dreg:s7], $0x5FFFF;
	_ =	strace $0x90000046  }
0xb2: {  	s29 =	simm.s32 $0x9;
	_ =	strace $0x80000048  }
0xb3: {  	_ =	swait.ge [sflag:s29], $0x1  }
0xb4: {  	[sflag:s29] =	ssyncadd.s32 $0xFFFFFFFF  }
0xb5: {  	_ =	strace $0x90000048  }
0xb6: {  	_ =	sfence  }
0xb7: {  	s30 =	sld [smem:$0x0];
	_ =	sdelay $0x2  }
0xb8: {  	s31 =	sshll.u32 s1, $0xD;
	s1 =	sshrl.u32 s1, $0x2  }
0xb9: {  	s3 =	sand.u32 $0x4000, s31;
	s1 =	sadd.s32 s1, s30  }
0xba: {  	s0 =	sor.u32 s3, s0;
	s1 =	sshll.u32 s1, $0x11  }
0xbb: {  	s0 =	sor.u32 s1, s0  }
0xbc: {  	s0 =	sadd.s32 $0x8F2B, s0  }
0xbd: {  	[sflag:s0] =	ssyncadd.remote.s32 $0x1  }
0xbe: {  	_ =	sfence.sel $0xFFFF  }
0xbf: {  	[dreg:$0x0] =	wrdreg $0xFFFFFFFF;
	(pc) =	sbr.abs _section_cstart, $3  }
0xc0: {  	[dreg:$0x1] =	wrdreg $0xFFFFFFFF  }
0xc1: {  	_ =	task.clear_ibuf [dreg:s7], $0x2FFFF;
	_ =	strace $0x9FFFFFFF  }
0xc2: {  	(tm) =	ssettm $0x7FFFFFFF  }
0xc3: {  	_ =	shalt  }
tec
execute0_lowered:
.L_overlay_start_1:
0x0: {  	(tag) =	ssettag $0x1  }
0x1: {  	s1 =	srdreg.scid;
	s3 =	rddreg [dreg:$0x0]  }
0x2: {  	s0 =	stileid.u32;
	s5 =	rddreg [dreg:$0x1];
	s2 =	simm.s32 $0x0  }
0x3: {  	s9 =	simm.s32 $0x1A00;
	s10 =	simm.s32 $0x3300;
	s11 =	simm.s32 $0x1  }
0x4: {  	s12 =	simm.s32 $0x2;
	s13 =	simm.s32 $0x4C00;
	s14 =	simm.s32 $0x0  }
0x5: {  	s4 =	sand.u32 $0x1, s1;
	s31 =	sshll.u32 s0, $0x1;
	s1 =	rddreg [dreg:$0x2]  }
0x6: {  	[smem:$0x7FF] =	sst s2;
	s6 =	sor.u32 s4, s31;
	s4 =	ssub.s32 $0x2, s4  }
0x7: {  	s7 =	smul.u32 $0x340, s6;
	s8 =	sshrl.u32 s4, $0x1;
	s6 =	sshll.u32 s6, $0xA  }
0x8: {  	_ =	strace $0x80000047;
	s8 =	ssub.s32 s4, s8;
	s5 =	sadd.s32 s5, s6  }
0x9: {  	s7 =	sadd.s32 s7, s3;
	s3 =	sadd.s32 $0xF42E00, s3;
	s6 =	smax.u32 s8, $0x1  }
0xa: {  	s8 =	simm.s32 $0x64;
	s4 =	sadd.s32 $0xA00, s7;
	s7 =	simm.s32 $0x3  }
.LBB2_1:
0xb: {  	[tilespmem:s2], [sflag:$0x3] =	stream.linear.gather [hbm4b:s4+s2], $0x1A00, $0x38;
	[tilespmem:$0x6C00] =	vst v63  }
0xc: {  	_ =	swait.ge [sflag:s7], $0x1A00  }
0xd: {  	[sflag:s7] =	ssyncset.done $0x0  }
0xe: {  	s15 =	simm.s32 $0x0;
	[sflag:s7] =	ssyncadd.s32 $0xFFFFE600  }
0xf: {  	[tilespmem:s9], [sflag:$0x1] =	stream.indirect.gather [hbm4b:s3+s8], $0x40, s2, s8, $0xb8;
	[tilespmem:$0x6C00] =	vst v63  }
.LBB2_2:
0x10: {  	s16 =	sshllo.u32 s15, $0x1  }
0x11: {  	s17 =	smul.u32 $0x1A0, s16;
	_ =	sdelay $0x1  }
0x12: {  	s17 =	sshra.s32 s17, $0x2  }
0x13: {  	[tilespmem:s10], [sflag:$0x2] =	stream.indirect.gather [hbm4b:s3+s8], $0x40, s17, s8, $0xb8;
	[tilespmem:$0x6C00] =	vst v63  }
0x14: {  	_ =	swait.ge [sflag:s11], $0x1900  }
0x15: {  	[sflag:s11] =	ssyncset.done $0x0  }
0x16: {  	s18 =	simm.s32 $0x0;
	[sflag:s11] =	ssyncadd.s32 $0xFFFFE700  }
0x17: {  	v1 =	vld [tilespmem:s18+$0x1A30]  }
0x18: {  	v2 =	vld [tilespmem:s18+$0x1A00]  }
0x19: {  	v0 =	vimm.f32 $0.0e+00;
	v3 =	vld [tilespmem:s18+$0x1A10]  }
0x1a: {  	v5 =	vimm.f32 $0.0e+00;
	v6 =	vimm.f32 $0.0e+00;
	v7 =	vimm.f32 $0.0e+00;
	s17 =	simm.s32 $0x100;
	v4 =	vld [tilespmem:s18+$0x1A20]  }
.LBB2_3:
0x1b: {  	p0 =	sne.s32 s17, $0x3100  }
.Ltmp0:
0x1c: {  	s18 =	sshra.s32 s17, $0x2;
	s17 =	sadd.s32 $0x100, s17;
	v0 =	vadd.f32 v1, v0;
	(pc) =	sbr.rel @p0 .LBB2_3-.Ltmp0, $4  }
0x1d: {  	v1 =	vld [tilespmem:s18+$0x1A30];
	v5 =	vadd.f32 v2, v5  }
0x1e: {  	v2 =	vld [tilespmem:s18+$0x1A00];
	v6 =	vadd.f32 v3, v6  }
0x1f: {  	v3 =	vld [tilespmem:s18+$0x1A10];
	v7 =	vadd.f32 v4, v7  }
0x20: {  	v4 =	vld [tilespmem:s18+$0x1A20]  }
0x21: {  	_ = 	snop  }
0x22: {  	v0 =	vadd.f32 v1, v0  }
0x23: {  	v2 =	vadd.f32 v2, v5  }
0x24: {  	s17 =	sshll.u32 s15, $0x8;
	v3 =	vadd.f32 v3, v6;
	v0 =	vmul.f32 $1.999999960e-02, v0  }
0x25: {  	s17 =	sand.u32 $0x3FFFFF00, s17;
	v4 =	vadd.f32 v4, v7;
	v2 =	vmul.f32 $1.999999960e-02, v2  }
0x26: {  	v1 =	vmul.f32 $1.999999960e-02, v3;
	[tilespmem:s17+$0x4C30] =	vst v0  }
0x27: {  	[tilespmem:s17+$0x4C00] =	vst v2;
	v2 =	vmul.f32 $1.999999960e-02, v4  }
0x28: {  	[tilespmem:s17+$0x4C10] =	vst v1  }
0x29: {  	s19 =	simm.s32 $0x0;
	[tilespmem:s17+$0x4C20] =	vst v2  }
0x2a: {  	v1 =	vld [tilespmem:s19+$0x26B0]  }
0x2b: {  	v2 =	vld [tilespmem:s19+$0x2680]  }
0x2c: {  	v5 =	vimm.f32 $0.0e+00;
	v3 =	vld [tilespmem:s19+$0x2690]  }
0x2d: {  	s18 =	simm.s32 $0x100;
	v6 =	vimm.f32 $0.0e+00;
	v7 =	vimm.f32 $0.0e+00;
	v0 =	vimm.f32 $0.0e+00;
	v4 =	vld [tilespmem:s19+$0x26A0]  }
.LBB2_5:
0x2e: {  	p0 =	sne.s32 s18, $0x3100  }
.Ltmp1:
0x2f: {  	s19 =	sshra.s32 s18, $0x2;
	s18 =	sadd.s32 $0x100, s18;
	v0 =	vadd.f32 v1, v0;
	(pc) =	sbr.rel @p0 .LBB2_5-.Ltmp1, $4  }
0x30: {  	v1 =	vld [tilespmem:s19+$0x26B0];
	v5 =	vadd.f32 v2, v5  }
0x31: {  	v2 =	vld [tilespmem:s19+$0x2680];
	v6 =	vadd.f32 v3, v6  }
0x32: {  	v3 =	vld [tilespmem:s19+$0x2690];
	v7 =	vadd.f32 v4, v7  }
0x33: {  	v4 =	vld [tilespmem:s19+$0x26A0]  }
0x34: {  	_ = 	snop  }
0x35: {  	v0 =	vadd.f32 v1, v0  }
0x36: {  	v2 =	vadd.f32 v2, v5  }
0x37: {  	v3 =	vadd.f32 v3, v6;
	v0 =	vmul.f32 $1.999999960e-02, v0  }
0x38: {  	p0 =	seq.s32 s15, $0x1F;
	v4 =	vadd.f32 v4, v7;
	v2 =	vmul.f32 $1.999999960e-02, v2  }
0x39: {  	s18 =	smul.u32 @!p0 $0x340, s15;
	v1 =	vmul.f32 $1.999999960e-02, v3;
	[tilespmem:s17+$0x4C70] =	vst v0  }
0x3a: {  	[tilespmem:s17+$0x4C40] =	vst v2;
	v2 =	vmul.f32 $1.999999960e-02, v4  }
0x3b: {  	s18 =	sshra.s32 @!p0 s18, $0x2;
	[tilespmem:s17+$0x4C50] =	vst v1  }
0x3c: {  	s19 =	simm.s32 @!p0 $0x1A00;
	[tilespmem:s17+$0x4C60] =	vst v2;
	s17 =	sadd.s32 @!p0 $0xD0, s18;
	s18 =	simm.s32 @!p0 $0x64  }
0x3d: {  	[tilespmem:s19], [sflag:$0x1] =	stream.indirect.gather @!p0 [hbm4b:s3+s18], $0x40, s17, s18, $0xb8;
	[tilespmem:$0x6C00] =	vst v63  }
0x3e: {  	_ =	swait.ge [sflag:s12], $0x1900  }
0x3f: {  	[sflag:s12] =	ssyncset.done $0x0  }
0x40: {  	s31 =	simm.s32 $0x0;
	[sflag:s12] =	ssyncadd.s32 $0xFFFFE700  }
0x41: {  	v1 =	vld [tilespmem:s31+$0x3330]  }
0x42: {  	v2 =	vld [tilespmem:s31+$0x3300]  }
0x43: {  	v5 =	vimm.f32 $0.0e+00;
	v3 =	vld [tilespmem:s31+$0x3310]  }
0x44: {  	v6 =	vimm.f32 $0.0e+00;
	v7 =	vimm.f32 $0.0e+00;
	v0 =	vimm.f32 $0.0e+00;
	s17 =	simm.s32 $0x100;
	v4 =	vld [tilespmem:s31+$0x3320]  }
.LBB2_7:
0x45: {  	p0 =	sne.s32 s17, $0x3100  }
.Ltmp2:
0x46: {  	s18 =	sshra.s32 s17, $0x2;
	s17 =	sadd.s32 $0x100, s17;
	v0 =	vadd.f32 v1, v0;
	(pc) =	sbr.rel @p0 .LBB2_7-.Ltmp2, $4  }
0x47: {  	v1 =	vld [tilespmem:s18+$0x3330];
	v5 =	vadd.f32 v2, v5  }
0x48: {  	v2 =	vld [tilespmem:s18+$0x3300];
	v6 =	vadd.f32 v3, v6  }
0x49: {  	v3 =	vld [tilespmem:s18+$0x3310];
	v7 =	vadd.f32 v4, v7  }
0x4a: {  	v4 =	vld [tilespmem:s18+$0x3320]  }
0x4b: {  	_ = 	snop  }
0x4c: {  	v0 =	vadd.f32 v1, v0  }
0x4d: {  	v2 =	vadd.f32 v2, v5  }
0x4e: {  	s16 =	sshll.u32 s16, $0x7;
	v3 =	vadd.f32 v3, v6;
	v0 =	vmul.f32 $1.999999960e-02, v0  }
0x4f: {  	s16 =	sand.u32 $0x3FFFFF80, s16;
	v4 =	vadd.f32 v4, v7;
	v2 =	vmul.f32 $1.999999960e-02, v2  }
0x50: {  	v1 =	vmul.f32 $1.999999960e-02, v3;
	[tilespmem:s16+$0x4C30] =	vst v0  }
0x51: {  	[tilespmem:s16+$0x4C00] =	vst v2;
	v2 =	vmul.f32 $1.999999960e-02, v4  }
0x52: {  	[tilespmem:s16+$0x4C10] =	vst v1  }
0x53: {  	s18 =	simm.s32 $0x0;
	[tilespmem:s16+$0x4C20] =	vst v2  }
0x54: {  	v1 =	vld [tilespmem:s18+$0x3FB0]  }
0x55: {  	v2 =	vld [tilespmem:s18+$0x3F80]  }
0x56: {  	v5 =	vimm.f32 $0.0e+00;
	v3 =	vld [tilespmem:s18+$0x3F90]  }
0x57: {  	s17 =	simm.s32 $0x100;
	v6 =	vimm.f32 $0.0e+00;
	v7 =	vimm.f32 $0.0e+00;
	v0 =	vimm.f32 $0.0e+00;
	v4 =	vld [tilespmem:s18+$0x3FA0]  }
.LBB2_9:
0x58: {  	p0 =	sne.s32 s17, $0x3100  }
.Ltmp3:
0x59: {  	s18 =	sshra.s32 s17, $0x2;
	s17 =	sadd.s32 $0x100, s17;
	v0 =	vadd.f32 v1, v0;
	(pc) =	sbr.rel @p0 .LBB2_9-.Ltmp3, $4  }
0x5a: {  	v1 =	vld [tilespmem:s18+$0x3FB0];
	v5 =	vadd.f32 v2, v5  }
0x5b: {  	v2 =	vld [tilespmem:s18+$0x3F80];
	v6 =	vadd.f32 v3, v6  }
0x5c: {  	v3 =	vld [tilespmem:s18+$0x3F90];
	v7 =	vadd.f32 v4, v7  }
0x5d: {  	v4 =	vld [tilespmem:s18+$0x3FA0]  }
0x5e: {  	_ = 	snop  }
0x5f: {  	v0 =	vadd.f32 v1, v0  }
0x60: {  	s15 =	sadd.s32 $0x1, s15;
	v2 =	vadd.f32 v2, v5  }
0x61: {  	p0 =	sne.s32 s15, $0x20;
	v3 =	vadd.f32 v3, v6;
	v0 =	vmul.f32 $1.999999960e-02, v0  }
.Ltmp4:
0x62: {  	v4 =	vadd.f32 v4, v7;
	v2 =	vmul.f32 $1.999999960e-02, v2;
	(pc) =	sbr.rel @p0 .LBB2_2-.Ltmp4, $4  }
0x63: {  	v62 =	vmul.f32 $1.999999960e-02, v3;
	[tilespmem:s16+$0x4C70] =	vst v0  }
0x64: {  	[tilespmem:s16+$0x4C40] =	vst v2;
	v63 =	vmul.f32 $1.999999960e-02, v4  }
0x65: {  	[tilespmem:s16+$0x4C50] =	vst v62  }
0x66: {  	[tilespmem:s16+$0x4C60] =	vst v63  }
0x67: {  	s14 =	sadd.s32 $0x1, s14  }
0x68: {  	p0 =	sne.s32 s14, s6  }
.Ltmp5:
0x69: {  	_ = 	snop;
	(pc) =	sbr.rel @p0 .LBB2_1-.Ltmp5, $4  }
0x6a: {  	[hbm4b:s5+s2] =	stream.linear.scatter [tilespmem:s13], [sflag:$0x3], $0x2000, $0x38;
	[tilespmem:$0x6C00] =	vst v63  }
0x6b: {  	_ =	swait.ge [sflag:s7], $0x2000  }
0x6c: {  	[sflag:s7] =	ssyncset.done $0x0  }
0x6d: {  	[sflag:s7] =	ssyncadd.s32 $0xFFFFE000  }
0x6e: {  	_ =	sfence.sel $0x180000  }
0x6f: {  	[bflag:$0x0] =	sbarrier.arrive $0xFFFF  }
0x70: {  	p0 =	sne.s32 s0, $0x0;
	_ =	strace $0x90000047  }
0x71: {  	s0 =	sadd.s32 @!p0 $0x100000, s1;
	[bflag:$0x2] =	sbarrier.arrive $0xFFFF  }
0x72: {  	[sflag:s0] =	ssyncadd.tile.s32 @!p0 $0x1;
	_ =	shalt  }
.Lfunc_end2:
_tile_overlayer_lowered:
.L_overlay_start_2:
0x73: {  	(tag) =	ssettag $0x2  }
0x74: {  	s0 =	rddreg [dreg:$0x0];
	s2 =	stileid.u32  }
0x75: {  	s1 =	rddreg [dreg:$0x1];
	p0 =	sne.s32 s2, $0x0  }
0x76: {  	s3 =	rddreg [dreg:$0x2];
	[bflag:$0x3] =	sbarrier.arrive $0xFFFF;
	s2 =	simm.s32 @!p0 $0x1C03  }
0x77: {  	[timem:s3], [sflag:s2] =	dma.local @!p0 [hbm:s0], s1  }
0x78: {  	s0 =	simm.s32 @!p0 $0x3  }
0x79: {  	_ =	swait.ge @!p0 [sflag:s0], s1  }
0x7a: {  	s1 =	ssub.s32 @!p0 $0x0, s1;
	[sflag:s0] =	ssyncset.done @!p0 $0x0  }
0x7b: {  	[sflag:s0] =	ssyncadd.s32 @!p0 s1  }
0x7c: {  	[bflag:$0x3] =	sbarrier.arrive $0xFFFF  }
0x7d: {  	_ =	shalt  }

</sc_bundles>
